<compile_context>
chip_gen: v7x
topology: tpu7x:2x2x1
jax: 0.10.2.dev20260603
libtpu: 0.0.44.dev20260713+nightly
codegen_flags: <defaults>
</compile_context>

<pallas_src>
import functools

import jax
import jax.numpy as jnp
from jax import lax
from jax.experimental import pallas as pl
from jax.experimental.pallas import tpu as pltpu
from jax.experimental.pallas import tpu_sc as plsc

MAX_SPAN = 255
QUERY_LENGTH = 254
KEY_LENGTH = 256
DEPTH = 512
TABLE_ROWS = MAX_SPAN * 2 - 1

_NUM_CORES = 2
_NUM_SUBCORES = 16
_NUM_WORKERS = _NUM_CORES * _NUM_SUBCORES
_Q_PER_WORKER = -(-QUERY_LENGTH // _NUM_WORKERS)

_ROT_ROWS = [504, 504, 504, 504, 504, 504, 496, 496]
_PACKED_ROWS = sum(_ROT_ROWS)


def _pack_body(w_ref, o_ref):
    base = 0
    for r, n in enumerate(_ROT_ROWS):
        o_ref[base : base + n] = w_ref[r : r + n]
        base += n


def _pack_rotated_tables(weight):
    return pl.pallas_call(
        _pack_body,
        in_specs=[pl.BlockSpec((TABLE_ROWS, DEPTH), lambda: (0, 0))],
        out_specs=pl.BlockSpec((_PACKED_ROWS, DEPTH), lambda: (0, 0)),
        out_shape=jax.ShapeDtypeStruct((_PACKED_ROWS, DEPTH), jnp.float32),
    )(weight)


def _make_sc_kernel():
    mesh = plsc.VectorSubcoreMesh(core_axis_name="c", subcore_axis_name="s")

    @functools.partial(
        pl.kernel,
        mesh=mesh,
        out_type=jax.ShapeDtypeStruct(
            (QUERY_LENGTH, KEY_LENGTH, DEPTH), jnp.float32
        ),
        scratch_types=[
            pltpu.VMEM_SHARED((_PACKED_ROWS, DEPTH), jnp.float32),
            pltpu.SemaphoreType.DMA,
        ],
    )
    def sc_kernel(w8_hbm, out_hbm, shared, sem):
        cid = lax.axis_index("c")
        sid = lax.axis_index("s")
        wid = sid * _NUM_CORES + cid

        stripe = 256
        tail = _PACKED_ROWS - (_NUM_SUBCORES - 1) * stripe

        @pl.when(sid < _NUM_SUBCORES - 1)
        def _load():
            pltpu.sync_copy(
                w8_hbm.at[pl.ds(sid * stripe, stripe)],
                shared.at[pl.ds(sid * stripe, stripe)],
            )

        @pl.when(sid == _NUM_SUBCORES - 1)
        def _load_tail():
            base = (_NUM_SUBCORES - 1) * stripe
            pltpu.sync_copy(
                w8_hbm.at[pl.ds(base, tail)],
                shared.at[pl.ds(base, tail)],
            )

        plsc.subcore_barrier()

        copies = []
        for t in range(_Q_PER_WORKER):
            q = wid + _NUM_WORKERS * t
            qc = jnp.minimum(q, QUERY_LENGTH - 1)
            s = (MAX_SPAN - 2) - qc
            r = lax.rem(s, 8)
            a = s - r
            off = r * _ROT_ROWS[0] - jnp.maximum(r - 6, 0) * 8
            src = pl.multiple_of(off + a, 8)
            desc = pltpu.make_async_copy(
                shared.at[pl.ds(src, KEY_LENGTH), :], out_hbm.at[qc], sem
            )
            copies.append((q, desc))

            @pl.when(q < QUERY_LENGTH)
            def _start(desc=desc):
                desc.start()

        for q, desc in copies:

            @pl.when(q < QUERY_LENGTH)
            def _wait(desc=desc):
                desc.wait()

    return sc_kernel


def kernel(weight):
    return _make_sc_kernel()(_pack_rotated_tables(weight))

# --- scband reference (transcript-rebuilt; emitter-appended) ---
"""Pipeline reference for scband-relative-positional-encoding-32152125177890 (READ-ONLY COPY).

The authoritative reference and input builder live on the scoring server;
editing this copy changes nothing except your own understanding.
"""

import jax, jax.numpy as jnp
import numpy as np

MAX_SPAN = 255
QUERY_LENGTH = 254
KEY_LENGTH = 256
DEPTH = 512


def _compute_relative_distance_matrix(query_length, key_length):
    if (key_length - query_length) % 2:
        raise ValueError('Key_length should be query_length + 2 * memory_flange.')
    key_index = jnp.arange(key_length)
    query_index = jnp.arange(query_length) + (key_length - query_length) // 2
    distance_matrix = key_index[None, :] - query_index[:, None]
    distance_matrix = distance_matrix + MAX_SPAN - 1
    return distance_matrix


def setup_inputs(seed: int = 0) -> dict:
    key = jax.random.key(seed)
    # Embedding table: (2*MAX_SPAN - 1, depth), trunc_normal std=1.0 approximated
    # by clipping a standard normal to +/-2 std (torch trunc_normal_ default bounds).
    w = jax.random.truncated_normal(key, -2.0, 2.0, (MAX_SPAN * 2 - 1, DEPTH), dtype=jnp.float32)
    return {"weight": w}


def reference(weight):
    distance_matrix = _compute_relative_distance_matrix(QUERY_LENGTH, KEY_LENGTH)
    flat_idx = distance_matrix.reshape(-1)
    gathered = jnp.take(weight, flat_idx, axis=0)
    return gathered.reshape(QUERY_LENGTH, KEY_LENGTH, DEPTH)

if __name__ == "__main__":
    import jax
    _d = setup_inputs()
    print(jax.jit(kernel)(*tuple(_d.values())))

</pallas_src>

<mosaic_0001>
#map = affine_map<(d0, d1) -> (0, 0)>
#map1 = affine_map<(d0, d1) -> (0, 0, 0)>
module attributes {stable_mosaic.version = 14 : i64} {
  func.func @sc_kernel(%arg0: i32, %arg1: i32, %arg2: memref<4016x512xf32, #tpu.memory_space<hbm>>, %arg3: memref<254x256x512xf32, #tpu.memory_space<hbm>>, %arg4: memref<4016x512xf32, #tpu.memory_space<vmem_shared>>, %arg5: memref<!tpu.dma_semaphore, #tpu.memory_space<semaphore_mem>>) attributes {dimension_semantics = [#tpu.dimension_semantics<core_parallel>, #tpu.dimension_semantics<subcore_parallel>], iteration_bounds = array<i64: 2, 16>, scalar_prefetch = 0 : i64, scratch_operands = 2 : i64, tpu.core_type = #tpu.core_type<sc_vector_subcore>, window_params = [{transform_indices = #map}, {transform_indices = #map1}]} {
    %mul3A = arith.constant 2 : i32
    %mul3A_0 = arith.muli %arg1, %mul3A : i32
    %add3A = arith.addi %mul3A_0, %arg0 : i32
    %lt3A = arith.constant 15 : i32
    %lt3A_1 = arith.cmpi slt, %arg1, %lt3A : i32
    %convert_element_type3A = arith.extui %lt3A_1 : i1 to i32
    %cond3A = arith.constant 0 : i32
    %cond3A_2 = arith.cmpi ne, %convert_element_type3A, %cond3A : i32
    scf.if %cond3A_2 {
      %mul3A_242 = arith.constant 256 : i32
      %mul3A_243 = arith.muli %arg1, %mul3A_242 : i32
      %mul3A_244 = arith.constant 256 : i32
      %mul3A_245 = arith.muli %arg1, %mul3A_244 : i32
      "tpu.region"() ({
        %run_scoped3A = tpu.sem_alloc : memref<!tpu.dma_semaphore, #tpu.memory_space<semaphore_mem>>
        %dma_start3A = arith.constant 0 : i32
        %dma_start3A_246 = tpu.memref_slice %arg4[%mul3A_245, %dma_start3A] : memref<4016x512xf32, #tpu.memory_space<vmem_shared>> -> memref<256x512xf32, #tpu.memory_space<vmem_shared>>
        %dma_start3A_247 = arith.constant 0 : i32
        %dma_start3A_248 = tpu.memref_slice %arg2[%mul3A_243, %dma_start3A_247] : memref<4016x512xf32, #tpu.memory_space<hbm>> -> memref<256x512xf32, #tpu.memory_space<hbm>>
        tpu.enqueue_dma source(%dma_start3A_248 : memref<256x512xf32, #tpu.memory_space<hbm>>) target(%dma_start3A_246 : memref<256x512xf32, #tpu.memory_space<vmem_shared>>) target_semaphore(%run_scoped3A : memref<!tpu.dma_semaphore, #tpu.memory_space<semaphore_mem>>)
        %dma_wait3A = arith.constant 0 : i32
        %dma_wait3A_249 = tpu.memref_slice %arg4[%mul3A_245, %dma_wait3A] : memref<4016x512xf32, #tpu.memory_space<vmem_shared>> -> memref<256x512xf32, #tpu.memory_space<vmem_shared>>
        %dma_wait3A_250 = arith.constant 0 : i32
        %dma_wait3A_251 = tpu.memref_slice %arg2[%mul3A_243, %dma_wait3A_250] : memref<4016x512xf32, #tpu.memory_space<hbm>> -> memref<256x512xf32, #tpu.memory_space<hbm>>
        tpu.wait_dma2 semaphore(%run_scoped3A : memref<!tpu.dma_semaphore, #tpu.memory_space<semaphore_mem>>) src(%dma_wait3A_251 : memref<256x512xf32, #tpu.memory_space<hbm>>) dst(%dma_wait3A_249 : memref<256x512xf32, #tpu.memory_space<vmem_shared>>)
        tpu.yield
      }) : () -> ()
    } else {
    }
    %eq3A = arith.constant 15 : i32
    %eq3A_3 = arith.cmpi eq, %arg1, %eq3A : i32
    %convert_element_type3A_4 = arith.extui %eq3A_3 : i1 to i32
    %cond3A_5 = arith.constant 0 : i32
    %cond3A_6 = arith.cmpi ne, %convert_element_type3A_4, %cond3A_5 : i32
    scf.if %cond3A_6 {
      "tpu.region"() ({
        %run_scoped3A = tpu.sem_alloc : memref<!tpu.dma_semaphore, #tpu.memory_space<semaphore_mem>>
        %dma_start3A = arith.constant 3840 : i32
        %dma_start3A_242 = arith.constant 0 : i32
        %dma_start3A_243 = tpu.memref_slice %arg4[%dma_start3A, %dma_start3A_242] : memref<4016x512xf32, #tpu.memory_space<vmem_shared>> -> memref<176x512xf32, #tpu.memory_space<vmem_shared>>
        %dma_start3A_244 = arith.constant 3840 : i32
        %dma_start3A_245 = arith.constant 0 : i32
        %dma_start3A_246 = tpu.memref_slice %arg2[%dma_start3A_244, %dma_start3A_245] : memref<4016x512xf32, #tpu.memory_space<hbm>> -> memref<176x512xf32, #tpu.memory_space<hbm>>
        tpu.enqueue_dma source(%dma_start3A_246 : memref<176x512xf32, #tpu.memory_space<hbm>>) target(%dma_start3A_243 : memref<176x512xf32, #tpu.memory_space<vmem_shared>>) target_semaphore(%run_scoped3A : memref<!tpu.dma_semaphore, #tpu.memory_space<semaphore_mem>>)
        %dma_wait3A = arith.constant 3840 : i32
        %dma_wait3A_247 = arith.constant 0 : i32
        %dma_wait3A_248 = tpu.memref_slice %arg4[%dma_wait3A, %dma_wait3A_247] : memref<4016x512xf32, #tpu.memory_space<vmem_shared>> -> memref<176x512xf32, #tpu.memory_space<vmem_shared>>
        %dma_wait3A_249 = arith.constant 3840 : i32
        %dma_wait3A_250 = arith.constant 0 : i32
        %dma_wait3A_251 = tpu.memref_slice %arg2[%dma_wait3A_249, %dma_wait3A_250] : memref<4016x512xf32, #tpu.memory_space<hbm>> -> memref<176x512xf32, #tpu.memory_space<hbm>>
        tpu.wait_dma2 semaphore(%run_scoped3A : memref<!tpu.dma_semaphore, #tpu.memory_space<semaphore_mem>>) src(%dma_wait3A_251 : memref<176x512xf32, #tpu.memory_space<hbm>>) dst(%dma_wait3A_248 : memref<176x512xf32, #tpu.memory_space<vmem_shared>>)
        tpu.yield
      }) : () -> ()
    } else {
    }
    %barrier3A = arith.constant 0 : index
    tpu.barrier barrier_id(%barrier3A)
    %add3A_7 = arith.constant 0 : i32
    %add3A_8 = arith.addi %add3A, %add3A_7 : i32
    %min3A = arith.constant 253 : i32
    %min3A_9 = arith.minsi %add3A_8, %min3A : i32
    %sub3A = arith.constant 253 : i32
    %sub3A_10 = arith.subi %sub3A, %min3A_9 : i32
    %rem3A = arith.constant 8 : i32
    %rem3A_11 = arith.remsi %sub3A_10, %rem3A : i32
    %sub3A_12 = arith.subi %sub3A_10, %rem3A_11 : i32
    %mul3A_13 = arith.constant 504 : i32
    %mul3A_14 = arith.muli %rem3A_11, %mul3A_13 : i32
    %sub3A_15 = arith.constant 6 : i32
    %sub3A_16 = arith.subi %rem3A_11, %sub3A_15 : i32
    %max3A = arith.constant 0 : i32
    %max3A_17 = arith.maxsi %sub3A_16, %max3A : i32
    %mul3A_18 = arith.constant 8 : i32
    %mul3A_19 = arith.muli %max3A_17, %mul3A_18 : i32
    %sub3A_20 = arith.subi %mul3A_14, %mul3A_19 : i32
    %add3A_21 = arith.addi %sub3A_20, %sub3A_12 : i32
    %multiple_of3A = tpu.assume_multiple %add3A_21, 8 : i32
    %lt3A_22 = arith.constant 254 : i32
    %lt3A_23 = arith.cmpi slt, %add3A_8, %lt3A_22 : i32
    %convert_element_type3A_24 = arith.extui %lt3A_23 : i1 to i32
    %cond3A_25 = arith.constant 0 : i32
    %cond3A_26 = arith.cmpi ne, %convert_element_type3A_24, %cond3A_25 : i32
    scf.if %cond3A_26 {
      %dma_start3A = arith.constant 0 : i32
      %dma_start3A_242 = arith.constant 0 : i32
      %dma_start3A_243 = tpu.memref_slice %arg3[%min3A_9, %dma_start3A, %dma_start3A_242] : memref<254x256x512xf32, #tpu.memory_space<hbm>> -> memref<1x256x512xf32, #tpu.memory_space<hbm>>
      %dma_start3A_244 = tpu.memref_squeeze %dma_start3A_243 : memref<1x256x512xf32, #tpu.memory_space<hbm>> -> memref<256x512xf32, #tpu.memory_space<hbm>>
      %dma_start3A_245 = arith.constant 0 : i32
      %dma_start3A_246 = tpu.memref_slice %arg4[%multiple_of3A, %dma_start3A_245] : memref<4016x512xf32, #tpu.memory_space<vmem_shared>> -> memref<256x512xf32, #tpu.memory_space<vmem_shared>>
      tpu.enqueue_dma source(%dma_start3A_246 : memref<256x512xf32, #tpu.memory_space<vmem_shared>>) target(%dma_start3A_244 : memref<256x512xf32, #tpu.memory_space<hbm>>) target_semaphore(%arg5 : memref<!tpu.dma_semaphore, #tpu.memory_space<semaphore_mem>>)
    } else {
    }
    %add3A_27 = arith.constant 32 : i32
    %add3A_28 = arith.addi %add3A, %add3A_27 : i32
    %min3A_29 = arith.constant 253 : i32
    %min3A_30 = arith.minsi %add3A_28, %min3A_29 : i32
    %sub3A_31 = arith.constant 253 : i32
    %sub3A_32 = arith.subi %sub3A_31, %min3A_30 : i32
    %rem3A_33 = arith.constant 8 : i32
    %rem3A_34 = arith.remsi %sub3A_32, %rem3A_33 : i32
    %sub3A_35 = arith.subi %sub3A_32, %rem3A_34 : i32
    %mul3A_36 = arith.constant 504 : i32
    %mul3A_37 = arith.muli %rem3A_34, %mul3A_36 : i32
    %sub3A_38 = arith.constant 6 : i32
    %sub3A_39 = arith.subi %rem3A_34, %sub3A_38 : i32
    %max3A_40 = arith.constant 0 : i32
    %max3A_41 = arith.maxsi %sub3A_39, %max3A_40 : i32
    %mul3A_42 = arith.constant 8 : i32
    %mul3A_43 = arith.muli %max3A_41, %mul3A_42 : i32
    %sub3A_44 = arith.subi %mul3A_37, %mul3A_43 : i32
    %add3A_45 = arith.addi %sub3A_44, %sub3A_35 : i32
    %multiple_of3A_46 = tpu.assume_multiple %add3A_45, 8 : i32
    %lt3A_47 = arith.constant 254 : i32
    %lt3A_48 = arith.cmpi slt, %add3A_28, %lt3A_47 : i32
    %convert_element_type3A_49 = arith.extui %lt3A_48 : i1 to i32
    %cond3A_50 = arith.constant 0 : i32
    %cond3A_51 = arith.cmpi ne, %convert_element_type3A_49, %cond3A_50 : i32
    scf.if %cond3A_51 {
      %dma_start3A = arith.constant 0 : i32
      %dma_start3A_242 = arith.constant 0 : i32
      %dma_start3A_243 = tpu.memref_slice %arg3[%min3A_30, %dma_start3A, %dma_start3A_242] : memref<254x256x512xf32, #tpu.memory_space<hbm>> -> memref<1x256x512xf32, #tpu.memory_space<hbm>>
      %dma_start3A_244 = tpu.memref_squeeze %dma_start3A_243 : memref<1x256x512xf32, #tpu.memory_space<hbm>> -> memref<256x512xf32, #tpu.memory_space<hbm>>
      %dma_start3A_245 = arith.constant 0 : i32
      %dma_start3A_246 = tpu.memref_slice %arg4[%multiple_of3A_46, %dma_start3A_245] : memref<4016x512xf32, #tpu.memory_space<vmem_shared>> -> memref<256x512xf32, #tpu.memory_space<vmem_shared>>
      tpu.enqueue_dma source(%dma_start3A_246 : memref<256x512xf32, #tpu.memory_space<vmem_shared>>) target(%dma_start3A_244 : memref<256x512xf32, #tpu.memory_space<hbm>>) target_semaphore(%arg5 : memref<!tpu.dma_semaphore, #tpu.memory_space<semaphore_mem>>)
    } else {
    }
    %add3A_52 = arith.constant 64 : i32
    %add3A_53 = arith.addi %add3A, %add3A_52 : i32
    %min3A_54 = arith.constant 253 : i32
    %min3A_55 = arith.minsi %add3A_53, %min3A_54 : i32
    %sub3A_56 = arith.constant 253 : i32
    %sub3A_57 = arith.subi %sub3A_56, %min3A_55 : i32
    %rem3A_58 = arith.constant 8 : i32
    %rem3A_59 = arith.remsi %sub3A_57, %rem3A_58 : i32
    %sub3A_60 = arith.subi %sub3A_57, %rem3A_59 : i32
    %mul3A_61 = arith.constant 504 : i32
    %mul3A_62 = arith.muli %rem3A_59, %mul3A_61 : i32
    %sub3A_63 = arith.constant 6 : i32
    %sub3A_64 = arith.subi %rem3A_59, %sub3A_63 : i32
    %max3A_65 = arith.constant 0 : i32
    %max3A_66 = arith.maxsi %sub3A_64, %max3A_65 : i32
    %mul3A_67 = arith.constant 8 : i32
    %mul3A_68 = arith.muli %max3A_66, %mul3A_67 : i32
    %sub3A_69 = arith.subi %mul3A_62, %mul3A_68 : i32
    %add3A_70 = arith.addi %sub3A_69, %sub3A_60 : i32
    %multiple_of3A_71 = tpu.assume_multiple %add3A_70, 8 : i32
    %lt3A_72 = arith.constant 254 : i32
    %lt3A_73 = arith.cmpi slt, %add3A_53, %lt3A_72 : i32
    %convert_element_type3A_74 = arith.extui %lt3A_73 : i1 to i32
    %cond3A_75 = arith.constant 0 : i32
    %cond3A_76 = arith.cmpi ne, %convert_element_type3A_74, %cond3A_75 : i32
    scf.if %cond3A_76 {
      %dma_start3A = arith.constant 0 : i32
      %dma_start3A_242 = arith.constant 0 : i32
      %dma_start3A_243 = tpu.memref_slice %arg3[%min3A_55, %dma_start3A, %dma_start3A_242] : memref<254x256x512xf32, #tpu.memory_space<hbm>> -> memref<1x256x512xf32, #tpu.memory_space<hbm>>
      %dma_start3A_244 = tpu.memref_squeeze %dma_start3A_243 : memref<1x256x512xf32, #tpu.memory_space<hbm>> -> memref<256x512xf32, #tpu.memory_space<hbm>>
      %dma_start3A_245 = arith.constant 0 : i32
      %dma_start3A_246 = tpu.memref_slice %arg4[%multiple_of3A_71, %dma_start3A_245] : memref<4016x512xf32, #tpu.memory_space<vmem_shared>> -> memref<256x512xf32, #tpu.memory_space<vmem_shared>>
      tpu.enqueue_dma source(%dma_start3A_246 : memref<256x512xf32, #tpu.memory_space<vmem_shared>>) target(%dma_start3A_244 : memref<256x512xf32, #tpu.memory_space<hbm>>) target_semaphore(%arg5 : memref<!tpu.dma_semaphore, #tpu.memory_space<semaphore_mem>>)
    } else {
    }
    %add3A_77 = arith.constant 96 : i32
    %add3A_78 = arith.addi %add3A, %add3A_77 : i32
    %min3A_79 = arith.constant 253 : i32
    %min3A_80 = arith.minsi %add3A_78, %min3A_79 : i32
    %sub3A_81 = arith.constant 253 : i32
    %sub3A_82 = arith.subi %sub3A_81, %min3A_80 : i32
    %rem3A_83 = arith.constant 8 : i32
    %rem3A_84 = arith.remsi %sub3A_82, %rem3A_83 : i32
    %sub3A_85 = arith.subi %sub3A_82, %rem3A_84 : i32
    %mul3A_86 = arith.constant 504 : i32
    %mul3A_87 = arith.muli %rem3A_84, %mul3A_86 : i32
    %sub3A_88 = arith.constant 6 : i32
    %sub3A_89 = arith.subi %rem3A_84, %sub3A_88 : i32
    %max3A_90 = arith.constant 0 : i32
    %max3A_91 = arith.maxsi %sub3A_89, %max3A_90 : i32
    %mul3A_92 = arith.constant 8 : i32
    %mul3A_93 = arith.muli %max3A_91, %mul3A_92 : i32
    %sub3A_94 = arith.subi %mul3A_87, %mul3A_93 : i32
    %add3A_95 = arith.addi %sub3A_94, %sub3A_85 : i32
    %multiple_of3A_96 = tpu.assume_multiple %add3A_95, 8 : i32
    %lt3A_97 = arith.constant 254 : i32
    %lt3A_98 = arith.cmpi slt, %add3A_78, %lt3A_97 : i32
    %convert_element_type3A_99 = arith.extui %lt3A_98 : i1 to i32
    %cond3A_100 = arith.constant 0 : i32
    %cond3A_101 = arith.cmpi ne, %convert_element_type3A_99, %cond3A_100 : i32
    scf.if %cond3A_101 {
      %dma_start3A = arith.constant 0 : i32
      %dma_start3A_242 = arith.constant 0 : i32
      %dma_start3A_243 = tpu.memref_slice %arg3[%min3A_80, %dma_start3A, %dma_start3A_242] : memref<254x256x512xf32, #tpu.memory_space<hbm>> -> memref<1x256x512xf32, #tpu.memory_space<hbm>>
      %dma_start3A_244 = tpu.memref_squeeze %dma_start3A_243 : memref<1x256x512xf32, #tpu.memory_space<hbm>> -> memref<256x512xf32, #tpu.memory_space<hbm>>
      %dma_start3A_245 = arith.constant 0 : i32
      %dma_start3A_246 = tpu.memref_slice %arg4[%multiple_of3A_96, %dma_start3A_245] : memref<4016x512xf32, #tpu.memory_space<vmem_shared>> -> memref<256x512xf32, #tpu.memory_space<vmem_shared>>
      tpu.enqueue_dma source(%dma_start3A_246 : memref<256x512xf32, #tpu.memory_space<vmem_shared>>) target(%dma_start3A_244 : memref<256x512xf32, #tpu.memory_space<hbm>>) target_semaphore(%arg5 : memref<!tpu.dma_semaphore, #tpu.memory_space<semaphore_mem>>)
    } else {
    }
    %add3A_102 = arith.constant 128 : i32
    %add3A_103 = arith.addi %add3A, %add3A_102 : i32
    %min3A_104 = arith.constant 253 : i32
    %min3A_105 = arith.minsi %add3A_103, %min3A_104 : i32
    %sub3A_106 = arith.constant 253 : i32
    %sub3A_107 = arith.subi %sub3A_106, %min3A_105 : i32
    %rem3A_108 = arith.constant 8 : i32
    %rem3A_109 = arith.remsi %sub3A_107, %rem3A_108 : i32
    %sub3A_110 = arith.subi %sub3A_107, %rem3A_109 : i32
    %mul3A_111 = arith.constant 504 : i32
    %mul3A_112 = arith.muli %rem3A_109, %mul3A_111 : i32
    %sub3A_113 = arith.constant 6 : i32
    %sub3A_114 = arith.subi %rem3A_109, %sub3A_113 : i32
    %max3A_115 = arith.constant 0 : i32
    %max3A_116 = arith.maxsi %sub3A_114, %max3A_115 : i32
    %mul3A_117 = arith.constant 8 : i32
    %mul3A_118 = arith.muli %max3A_116, %mul3A_117 : i32
    %sub3A_119 = arith.subi %mul3A_112, %mul3A_118 : i32
    %add3A_120 = arith.addi %sub3A_119, %sub3A_110 : i32
    %multiple_of3A_121 = tpu.assume_multiple %add3A_120, 8 : i32
    %lt3A_122 = arith.constant 254 : i32
    %lt3A_123 = arith.cmpi slt, %add3A_103, %lt3A_122 : i32
    %convert_element_type3A_124 = arith.extui %lt3A_123 : i1 to i32
    %cond3A_125 = arith.constant 0 : i32
    %cond3A_126 = arith.cmpi ne, %convert_element_type3A_124, %cond3A_125 : i32
    scf.if %cond3A_126 {
      %dma_start3A = arith.constant 0 : i32
      %dma_start3A_242 = arith.constant 0 : i32
      %dma_start3A_243 = tpu.memref_slice %arg3[%min3A_105, %dma_start3A, %dma_start3A_242] : memref<254x256x512xf32, #tpu.memory_space<hbm>> -> memref<1x256x512xf32, #tpu.memory_space<hbm>>
      %dma_start3A_244 = tpu.memref_squeeze %dma_start3A_243 : memref<1x256x512xf32, #tpu.memory_space<hbm>> -> memref<256x512xf32, #tpu.memory_space<hbm>>
      %dma_start3A_245 = arith.constant 0 : i32
      %dma_start3A_246 = tpu.memref_slice %arg4[%multiple_of3A_121, %dma_start3A_245] : memref<4016x512xf32, #tpu.memory_space<vmem_shared>> -> memref<256x512xf32, #tpu.memory_space<vmem_shared>>
      tpu.enqueue_dma source(%dma_start3A_246 : memref<256x512xf32, #tpu.memory_space<vmem_shared>>) target(%dma_start3A_244 : memref<256x512xf32, #tpu.memory_space<hbm>>) target_semaphore(%arg5 : memref<!tpu.dma_semaphore, #tpu.memory_space<semaphore_mem>>)
    } else {
    }
    %add3A_127 = arith.constant 160 : i32
    %add3A_128 = arith.addi %add3A, %add3A_127 : i32
    %min3A_129 = arith.constant 253 : i32
    %min3A_130 = arith.minsi %add3A_128, %min3A_129 : i32
    %sub3A_131 = arith.constant 253 : i32
    %sub3A_132 = arith.subi %sub3A_131, %min3A_130 : i32
    %rem3A_133 = arith.constant 8 : i32
    %rem3A_134 = arith.remsi %sub3A_132, %rem3A_133 : i32
    %sub3A_135 = arith.subi %sub3A_132, %rem3A_134 : i32
    %mul3A_136 = arith.constant 504 : i32
    %mul3A_137 = arith.muli %rem3A_134, %mul3A_136 : i32
    %sub3A_138 = arith.constant 6 : i32
    %sub3A_139 = arith.subi %rem3A_134, %sub3A_138 : i32
    %max3A_140 = arith.constant 0 : i32
    %max3A_141 = arith.maxsi %sub3A_139, %max3A_140 : i32
    %mul3A_142 = arith.constant 8 : i32
    %mul3A_143 = arith.muli %max3A_141, %mul3A_142 : i32
    %sub3A_144 = arith.subi %mul3A_137, %mul3A_143 : i32
    %add3A_145 = arith.addi %sub3A_144, %sub3A_135 : i32
    %multiple_of3A_146 = tpu.assume_multiple %add3A_145, 8 : i32
    %lt3A_147 = arith.constant 254 : i32
    %lt3A_148 = arith.cmpi slt, %add3A_128, %lt3A_147 : i32
    %convert_element_type3A_149 = arith.extui %lt3A_148 : i1 to i32
    %cond3A_150 = arith.constant 0 : i32
    %cond3A_151 = arith.cmpi ne, %convert_element_type3A_149, %cond3A_150 : i32
    scf.if %cond3A_151 {
      %dma_start3A = arith.constant 0 : i32
      %dma_start3A_242 = arith.constant 0 : i32
      %dma_start3A_243 = tpu.memref_slice %arg3[%min3A_130, %dma_start3A, %dma_start3A_242] : memref<254x256x512xf32, #tpu.memory_space<hbm>> -> memref<1x256x512xf32, #tpu.memory_space<hbm>>
      %dma_start3A_244 = tpu.memref_squeeze %dma_start3A_243 : memref<1x256x512xf32, #tpu.memory_space<hbm>> -> memref<256x512xf32, #tpu.memory_space<hbm>>
      %dma_start3A_245 = arith.constant 0 : i32
      %dma_start3A_246 = tpu.memref_slice %arg4[%multiple_of3A_146, %dma_start3A_245] : memref<4016x512xf32, #tpu.memory_space<vmem_shared>> -> memref<256x512xf32, #tpu.memory_space<vmem_shared>>
      tpu.enqueue_dma source(%dma_start3A_246 : memref<256x512xf32, #tpu.memory_space<vmem_shared>>) target(%dma_start3A_244 : memref<256x512xf32, #tpu.memory_space<hbm>>) target_semaphore(%arg5 : memref<!tpu.dma_semaphore, #tpu.memory_space<semaphore_mem>>)
    } else {
    }
    %add3A_152 = arith.constant 192 : i32
    %add3A_153 = arith.addi %add3A, %add3A_152 : i32
    %min3A_154 = arith.constant 253 : i32
    %min3A_155 = arith.minsi %add3A_153, %min3A_154 : i32
    %sub3A_156 = arith.constant 253 : i32
    %sub3A_157 = arith.subi %sub3A_156, %min3A_155 : i32
    %rem3A_158 = arith.constant 8 : i32
    %rem3A_159 = arith.remsi %sub3A_157, %rem3A_158 : i32
    %sub3A_160 = arith.subi %sub3A_157, %rem3A_159 : i32
    %mul3A_161 = arith.constant 504 : i32
    %mul3A_162 = arith.muli %rem3A_159, %mul3A_161 : i32
    %sub3A_163 = arith.constant 6 : i32
    %sub3A_164 = arith.subi %rem3A_159, %sub3A_163 : i32
    %max3A_165 = arith.constant 0 : i32
    %max3A_166 = arith.maxsi %sub3A_164, %max3A_165 : i32
    %mul3A_167 = arith.constant 8 : i32
    %mul3A_168 = arith.muli %max3A_166, %mul3A_167 : i32
    %sub3A_169 = arith.subi %mul3A_162, %mul3A_168 : i32
    %add3A_170 = arith.addi %sub3A_169, %sub3A_160 : i32
    %multiple_of3A_171 = tpu.assume_multiple %add3A_170, 8 : i32
    %lt3A_172 = arith.constant 254 : i32
    %lt3A_173 = arith.cmpi slt, %add3A_153, %lt3A_172 : i32
    %convert_element_type3A_174 = arith.extui %lt3A_173 : i1 to i32
    %cond3A_175 = arith.constant 0 : i32
    %cond3A_176 = arith.cmpi ne, %convert_element_type3A_174, %cond3A_175 : i32
    scf.if %cond3A_176 {
      %dma_start3A = arith.constant 0 : i32
      %dma_start3A_242 = arith.constant 0 : i32
      %dma_start3A_243 = tpu.memref_slice %arg3[%min3A_155, %dma_start3A, %dma_start3A_242] : memref<254x256x512xf32, #tpu.memory_space<hbm>> -> memref<1x256x512xf32, #tpu.memory_space<hbm>>
      %dma_start3A_244 = tpu.memref_squeeze %dma_start3A_243 : memref<1x256x512xf32, #tpu.memory_space<hbm>> -> memref<256x512xf32, #tpu.memory_space<hbm>>
      %dma_start3A_245 = arith.constant 0 : i32
      %dma_start3A_246 = tpu.memref_slice %arg4[%multiple_of3A_171, %dma_start3A_245] : memref<4016x512xf32, #tpu.memory_space<vmem_shared>> -> memref<256x512xf32, #tpu.memory_space<vmem_shared>>
      tpu.enqueue_dma source(%dma_start3A_246 : memref<256x512xf32, #tpu.memory_space<vmem_shared>>) target(%dma_start3A_244 : memref<256x512xf32, #tpu.memory_space<hbm>>) target_semaphore(%arg5 : memref<!tpu.dma_semaphore, #tpu.memory_space<semaphore_mem>>)
    } else {
    }
    %add3A_177 = arith.constant 224 : i32
    %add3A_178 = arith.addi %add3A, %add3A_177 : i32
    %min3A_179 = arith.constant 253 : i32
    %min3A_180 = arith.minsi %add3A_178, %min3A_179 : i32
    %sub3A_181 = arith.constant 253 : i32
    %sub3A_182 = arith.subi %sub3A_181, %min3A_180 : i32
    %rem3A_183 = arith.constant 8 : i32
    %rem3A_184 = arith.remsi %sub3A_182, %rem3A_183 : i32
    %sub3A_185 = arith.subi %sub3A_182, %rem3A_184 : i32
    %mul3A_186 = arith.constant 504 : i32
    %mul3A_187 = arith.muli %rem3A_184, %mul3A_186 : i32
    %sub3A_188 = arith.constant 6 : i32
    %sub3A_189 = arith.subi %rem3A_184, %sub3A_188 : i32
    %max3A_190 = arith.constant 0 : i32
    %max3A_191 = arith.maxsi %sub3A_189, %max3A_190 : i32
    %mul3A_192 = arith.constant 8 : i32
    %mul3A_193 = arith.muli %max3A_191, %mul3A_192 : i32
    %sub3A_194 = arith.subi %mul3A_187, %mul3A_193 : i32
    %add3A_195 = arith.addi %sub3A_194, %sub3A_185 : i32
    %multiple_of3A_196 = tpu.assume_multiple %add3A_195, 8 : i32
    %lt3A_197 = arith.constant 254 : i32
    %lt3A_198 = arith.cmpi slt, %add3A_178, %lt3A_197 : i32
    %convert_element_type3A_199 = arith.extui %lt3A_198 : i1 to i32
    %cond3A_200 = arith.constant 0 : i32
    %cond3A_201 = arith.cmpi ne, %convert_element_type3A_199, %cond3A_200 : i32
    scf.if %cond3A_201 {
      %dma_start3A = arith.constant 0 : i32
      %dma_start3A_242 = arith.constant 0 : i32
      %dma_start3A_243 = tpu.memref_slice %arg3[%min3A_180, %dma_start3A, %dma_start3A_242] : memref<254x256x512xf32, #tpu.memory_space<hbm>> -> memref<1x256x512xf32, #tpu.memory_space<hbm>>
      %dma_start3A_244 = tpu.memref_squeeze %dma_start3A_243 : memref<1x256x512xf32, #tpu.memory_space<hbm>> -> memref<256x512xf32, #tpu.memory_space<hbm>>
      %dma_start3A_245 = arith.constant 0 : i32
      %dma_start3A_246 = tpu.memref_slice %arg4[%multiple_of3A_196, %dma_start3A_245] : memref<4016x512xf32, #tpu.memory_space<vmem_shared>> -> memref<256x512xf32, #tpu.memory_space<vmem_shared>>
      tpu.enqueue_dma source(%dma_start3A_246 : memref<256x512xf32, #tpu.memory_space<vmem_shared>>) target(%dma_start3A_244 : memref<256x512xf32, #tpu.memory_space<hbm>>) target_semaphore(%arg5 : memref<!tpu.dma_semaphore, #tpu.memory_space<semaphore_mem>>)
    } else {
    }
    %lt3A_202 = arith.constant 254 : i32
    %lt3A_203 = arith.cmpi slt, %add3A_8, %lt3A_202 : i32
    %convert_element_type3A_204 = arith.extui %lt3A_203 : i1 to i32
    %cond3A_205 = arith.constant 0 : i32
    %cond3A_206 = arith.cmpi ne, %convert_element_type3A_204, %cond3A_205 : i32
    scf.if %cond3A_206 {
      %dma_wait3A = arith.constant 0 : i32
      %dma_wait3A_242 = arith.constant 0 : i32
      %dma_wait3A_243 = tpu.memref_slice %arg3[%min3A_9, %dma_wait3A, %dma_wait3A_242] : memref<254x256x512xf32, #tpu.memory_space<hbm>> -> memref<1x256x512xf32, #tpu.memory_space<hbm>>
      %dma_wait3A_244 = tpu.memref_squeeze %dma_wait3A_243 : memref<1x256x512xf32, #tpu.memory_space<hbm>> -> memref<256x512xf32, #tpu.memory_space<hbm>>
      %dma_wait3A_245 = arith.constant 0 : i32
      %dma_wait3A_246 = tpu.memref_slice %arg4[%multiple_of3A, %dma_wait3A_245] : memref<4016x512xf32, #tpu.memory_space<vmem_shared>> -> memref<256x512xf32, #tpu.memory_space<vmem_shared>>
      tpu.wait_dma2 semaphore(%arg5 : memref<!tpu.dma_semaphore, #tpu.memory_space<semaphore_mem>>) src(%dma_wait3A_246 : memref<256x512xf32, #tpu.memory_space<vmem_shared>>) dst(%dma_wait3A_244 : memref<256x512xf32, #tpu.memory_space<hbm>>)
    } else {
    }
    %lt3A_207 = arith.constant 254 : i32
    %lt3A_208 = arith.cmpi slt, %add3A_28, %lt3A_207 : i32
    %convert_element_type3A_209 = arith.extui %lt3A_208 : i1 to i32
    %cond3A_210 = arith.constant 0 : i32
    %cond3A_211 = arith.cmpi ne, %convert_element_type3A_209, %cond3A_210 : i32
    scf.if %cond3A_211 {
      %dma_wait3A = arith.constant 0 : i32
      %dma_wait3A_242 = arith.constant 0 : i32
      %dma_wait3A_243 = tpu.memref_slice %arg3[%min3A_30, %dma_wait3A, %dma_wait3A_242] : memref<254x256x512xf32, #tpu.memory_space<hbm>> -> memref<1x256x512xf32, #tpu.memory_space<hbm>>
      %dma_wait3A_244 = tpu.memref_squeeze %dma_wait3A_243 : memref<1x256x512xf32, #tpu.memory_space<hbm>> -> memref<256x512xf32, #tpu.memory_space<hbm>>
      %dma_wait3A_245 = arith.constant 0 : i32
      %dma_wait3A_246 = tpu.memref_slice %arg4[%multiple_of3A_46, %dma_wait3A_245] : memref<4016x512xf32, #tpu.memory_space<vmem_shared>> -> memref<256x512xf32, #tpu.memory_space<vmem_shared>>
      tpu.wait_dma2 semaphore(%arg5 : memref<!tpu.dma_semaphore, #tpu.memory_space<semaphore_mem>>) src(%dma_wait3A_246 : memref<256x512xf32, #tpu.memory_space<vmem_shared>>) dst(%dma_wait3A_244 : memref<256x512xf32, #tpu.memory_space<hbm>>)
    } else {
    }
    %lt3A_212 = arith.constant 254 : i32
    %lt3A_213 = arith.cmpi slt, %add3A_53, %lt3A_212 : i32
    %convert_element_type3A_214 = arith.extui %lt3A_213 : i1 to i32
    %cond3A_215 = arith.constant 0 : i32
    %cond3A_216 = arith.cmpi ne, %convert_element_type3A_214, %cond3A_215 : i32
    scf.if %cond3A_216 {
      %dma_wait3A = arith.constant 0 : i32
      %dma_wait3A_242 = arith.constant 0 : i32
      %dma_wait3A_243 = tpu.memref_slice %arg3[%min3A_55, %dma_wait3A, %dma_wait3A_242] : memref<254x256x512xf32, #tpu.memory_space<hbm>> -> memref<1x256x512xf32, #tpu.memory_space<hbm>>
      %dma_wait3A_244 = tpu.memref_squeeze %dma_wait3A_243 : memref<1x256x512xf32, #tpu.memory_space<hbm>> -> memref<256x512xf32, #tpu.memory_space<hbm>>
      %dma_wait3A_245 = arith.constant 0 : i32
      %dma_wait3A_246 = tpu.memref_slice %arg4[%multiple_of3A_71, %dma_wait3A_245] : memref<4016x512xf32, #tpu.memory_space<vmem_shared>> -> memref<256x512xf32, #tpu.memory_space<vmem_shared>>
      tpu.wait_dma2 semaphore(%arg5 : memref<!tpu.dma_semaphore, #tpu.memory_space<semaphore_mem>>) src(%dma_wait3A_246 : memref<256x512xf32, #tpu.memory_space<vmem_shared>>) dst(%dma_wait3A_244 : memref<256x512xf32, #tpu.memory_space<hbm>>)
    } else {
    }
    %lt3A_217 = arith.constant 254 : i32
    %lt3A_218 = arith.cmpi slt, %add3A_78, %lt3A_217 : i32
    %convert_element_type3A_219 = arith.extui %lt3A_218 : i1 to i32
    %cond3A_220 = arith.constant 0 : i32
    %cond3A_221 = arith.cmpi ne, %convert_element_type3A_219, %cond3A_220 : i32
    scf.if %cond3A_221 {
      %dma_wait3A = arith.constant 0 : i32
      %dma_wait3A_242 = arith.constant 0 : i32
      %dma_wait3A_243 = tpu.memref_slice %arg3[%min3A_80, %dma_wait3A, %dma_wait3A_242] : memref<254x256x512xf32, #tpu.memory_space<hbm>> -> memref<1x256x512xf32, #tpu.memory_space<hbm>>
      %dma_wait3A_244 = tpu.memref_squeeze %dma_wait3A_243 : memref<1x256x512xf32, #tpu.memory_space<hbm>> -> memref<256x512xf32, #tpu.memory_space<hbm>>
      %dma_wait3A_245 = arith.constant 0 : i32
      %dma_wait3A_246 = tpu.memref_slice %arg4[%multiple_of3A_96, %dma_wait3A_245] : memref<4016x512xf32, #tpu.memory_space<vmem_shared>> -> memref<256x512xf32, #tpu.memory_space<vmem_shared>>
      tpu.wait_dma2 semaphore(%arg5 : memref<!tpu.dma_semaphore, #tpu.memory_space<semaphore_mem>>) src(%dma_wait3A_246 : memref<256x512xf32, #tpu.memory_space<vmem_shared>>) dst(%dma_wait3A_244 : memref<256x512xf32, #tpu.memory_space<hbm>>)
    } else {
    }
    %lt3A_222 = arith.constant 254 : i32
    %lt3A_223 = arith.cmpi slt, %add3A_103, %lt3A_222 : i32
    %convert_element_type3A_224 = arith.extui %lt3A_223 : i1 to i32
    %cond3A_225 = arith.constant 0 : i32
    %cond3A_226 = arith.cmpi ne, %convert_element_type3A_224, %cond3A_225 : i32
    scf.if %cond3A_226 {
      %dma_wait3A = arith.constant 0 : i32
      %dma_wait3A_242 = arith.constant 0 : i32
      %dma_wait3A_243 = tpu.memref_slice %arg3[%min3A_105, %dma_wait3A, %dma_wait3A_242] : memref<254x256x512xf32, #tpu.memory_space<hbm>> -> memref<1x256x512xf32, #tpu.memory_space<hbm>>
      %dma_wait3A_244 = tpu.memref_squeeze %dma_wait3A_243 : memref<1x256x512xf32, #tpu.memory_space<hbm>> -> memref<256x512xf32, #tpu.memory_space<hbm>>
      %dma_wait3A_245 = arith.constant 0 : i32
      %dma_wait3A_246 = tpu.memref_slice %arg4[%multiple_of3A_121, %dma_wait3A_245] : memref<4016x512xf32, #tpu.memory_space<vmem_shared>> -> memref<256x512xf32, #tpu.memory_space<vmem_shared>>
      tpu.wait_dma2 semaphore(%arg5 : memref<!tpu.dma_semaphore, #tpu.memory_space<semaphore_mem>>) src(%dma_wait3A_246 : memref<256x512xf32, #tpu.memory_space<vmem_shared>>) dst(%dma_wait3A_244 : memref<256x512xf32, #tpu.memory_space<hbm>>)
    } else {
    }
    %lt3A_227 = arith.constant 254 : i32
    %lt3A_228 = arith.cmpi slt, %add3A_128, %lt3A_227 : i32
    %convert_element_type3A_229 = arith.extui %lt3A_228 : i1 to i32
    %cond3A_230 = arith.constant 0 : i32
    %cond3A_231 = arith.cmpi ne, %convert_element_type3A_229, %cond3A_230 : i32
    scf.if %cond3A_231 {
      %dma_wait3A = arith.constant 0 : i32
      %dma_wait3A_242 = arith.constant 0 : i32
      %dma_wait3A_243 = tpu.memref_slice %arg3[%min3A_130, %dma_wait3A, %dma_wait3A_242] : memref<254x256x512xf32, #tpu.memory_space<hbm>> -> memref<1x256x512xf32, #tpu.memory_space<hbm>>
      %dma_wait3A_244 = tpu.memref_squeeze %dma_wait3A_243 : memref<1x256x512xf32, #tpu.memory_space<hbm>> -> memref<256x512xf32, #tpu.memory_space<hbm>>
      %dma_wait3A_245 = arith.constant 0 : i32
      %dma_wait3A_246 = tpu.memref_slice %arg4[%multiple_of3A_146, %dma_wait3A_245] : memref<4016x512xf32, #tpu.memory_space<vmem_shared>> -> memref<256x512xf32, #tpu.memory_space<vmem_shared>>
      tpu.wait_dma2 semaphore(%arg5 : memref<!tpu.dma_semaphore, #tpu.memory_space<semaphore_mem>>) src(%dma_wait3A_246 : memref<256x512xf32, #tpu.memory_space<vmem_shared>>) dst(%dma_wait3A_244 : memref<256x512xf32, #tpu.memory_space<hbm>>)
    } else {
    }
    %lt3A_232 = arith.constant 254 : i32
    %lt3A_233 = arith.cmpi slt, %add3A_153, %lt3A_232 : i32
    %convert_element_type3A_234 = arith.extui %lt3A_233 : i1 to i32
    %cond3A_235 = arith.constant 0 : i32
    %cond3A_236 = arith.cmpi ne, %convert_element_type3A_234, %cond3A_235 : i32
    scf.if %cond3A_236 {
      %dma_wait3A = arith.constant 0 : i32
      %dma_wait3A_242 = arith.constant 0 : i32
      %dma_wait3A_243 = tpu.memref_slice %arg3[%min3A_155, %dma_wait3A, %dma_wait3A_242] : memref<254x256x512xf32, #tpu.memory_space<hbm>> -> memref<1x256x512xf32, #tpu.memory_space<hbm>>
      %dma_wait3A_244 = tpu.memref_squeeze %dma_wait3A_243 : memref<1x256x512xf32, #tpu.memory_space<hbm>> -> memref<256x512xf32, #tpu.memory_space<hbm>>
      %dma_wait3A_245 = arith.constant 0 : i32
      %dma_wait3A_246 = tpu.memref_slice %arg4[%multiple_of3A_171, %dma_wait3A_245] : memref<4016x512xf32, #tpu.memory_space<vmem_shared>> -> memref<256x512xf32, #tpu.memory_space<vmem_shared>>
      tpu.wait_dma2 semaphore(%arg5 : memref<!tpu.dma_semaphore, #tpu.memory_space<semaphore_mem>>) src(%dma_wait3A_246 : memref<256x512xf32, #tpu.memory_space<vmem_shared>>) dst(%dma_wait3A_244 : memref<256x512xf32, #tpu.memory_space<hbm>>)
    } else {
    }
    %lt3A_237 = arith.constant 254 : i32
    %lt3A_238 = arith.cmpi slt, %add3A_178, %lt3A_237 : i32
    %convert_element_type3A_239 = arith.extui %lt3A_238 : i1 to i32
    %cond3A_240 = arith.constant 0 : i32
    %cond3A_241 = arith.cmpi ne, %convert_element_type3A_239, %cond3A_240 : i32
    scf.if %cond3A_241 {
      %dma_wait3A = arith.constant 0 : i32
      %dma_wait3A_242 = arith.constant 0 : i32
      %dma_wait3A_243 = tpu.memref_slice %arg3[%min3A_180, %dma_wait3A, %dma_wait3A_242] : memref<254x256x512xf32, #tpu.memory_space<hbm>> -> memref<1x256x512xf32, #tpu.memory_space<hbm>>
      %dma_wait3A_244 = tpu.memref_squeeze %dma_wait3A_243 : memref<1x256x512xf32, #tpu.memory_space<hbm>> -> memref<256x512xf32, #tpu.memory_space<hbm>>
      %dma_wait3A_245 = arith.constant 0 : i32
      %dma_wait3A_246 = tpu.memref_slice %arg4[%multiple_of3A_196, %dma_wait3A_245] : memref<4016x512xf32, #tpu.memory_space<vmem_shared>> -> memref<256x512xf32, #tpu.memory_space<vmem_shared>>
      tpu.wait_dma2 semaphore(%arg5 : memref<!tpu.dma_semaphore, #tpu.memory_space<semaphore_mem>>) src(%dma_wait3A_246 : memref<256x512xf32, #tpu.memory_space<vmem_shared>>) dst(%dma_wait3A_244 : memref<256x512xf32, #tpu.memory_space<hbm>>)
    } else {
    }
    return
  }
}

module attributes {stable_mosaic.version = 14 : i64} {
  func.func @_pack_body(%arg0: memref<509x512xf32, #tpu.memory_space<vmem>>, %arg1: memref<4016x512xf32, #tpu.memory_space<vmem>>) attributes {dimension_semantics = [], scalar_prefetch = 0 : i64, scratch_operands = 0 : i64, tpu.core_type = #tpu.core_type<tc>} {
    %get3A = arith.constant 0 : index
    %get3A_0 = arith.constant 0 : index
    %get3A_1 = vector.load %arg0[%get3A, %get3A_0] : memref<509x512xf32, #tpu.memory_space<vmem>>, vector<504x512xf32>
    %swap3A = arith.constant 0 : index
    %swap3A_2 = arith.constant 0 : index
    %swap3A_3 = vector.load %arg1[%swap3A, %swap3A_2] : memref<4016x512xf32, #tpu.memory_space<vmem>>, vector<504x512xf32>
    tpu.vector_store %arg1[%swap3A, %swap3A_2], %get3A_1 {strides = array<i32>} : memref<4016x512xf32, #tpu.memory_space<vmem>>, vector<504x512xf32>,
    %get3A_4 = arith.constant 1 : index
    %get3A_5 = arith.constant 0 : index
    %get3A_6 = vector.load %arg0[%get3A_4, %get3A_5] : memref<509x512xf32, #tpu.memory_space<vmem>>, vector<504x512xf32>
    %swap3A_7 = arith.constant 504 : index
    %swap3A_8 = arith.constant 0 : index
    %swap3A_9 = vector.load %arg1[%swap3A_7, %swap3A_8] : memref<4016x512xf32, #tpu.memory_space<vmem>>, vector<504x512xf32>
    tpu.vector_store %arg1[%swap3A_7, %swap3A_8], %get3A_6 {strides = array<i32>} : memref<4016x512xf32, #tpu.memory_space<vmem>>, vector<504x512xf32>,
    %get3A_10 = arith.constant 2 : index
    %get3A_11 = arith.constant 0 : index
    %get3A_12 = vector.load %arg0[%get3A_10, %get3A_11] : memref<509x512xf32, #tpu.memory_space<vmem>>, vector<504x512xf32>
    %swap3A_13 = arith.constant 1008 : index
    %swap3A_14 = arith.constant 0 : index
    %swap3A_15 = vector.load %arg1[%swap3A_13, %swap3A_14] : memref<4016x512xf32, #tpu.memory_space<vmem>>, vector<504x512xf32>
    tpu.vector_store %arg1[%swap3A_13, %swap3A_14], %get3A_12 {strides = array<i32>} : memref<4016x512xf32, #tpu.memory_space<vmem>>, vector<504x512xf32>,
    %get3A_16 = arith.constant 3 : index
    %get3A_17 = arith.constant 0 : index
    %get3A_18 = vector.load %arg0[%get3A_16, %get3A_17] : memref<509x512xf32, #tpu.memory_space<vmem>>, vector<504x512xf32>
    %swap3A_19 = arith.constant 1512 : index
    %swap3A_20 = arith.constant 0 : index
    %swap3A_21 = vector.load %arg1[%swap3A_19, %swap3A_20] : memref<4016x512xf32, #tpu.memory_space<vmem>>, vector<504x512xf32>
    tpu.vector_store %arg1[%swap3A_19, %swap3A_20], %get3A_18 {strides = array<i32>} : memref<4016x512xf32, #tpu.memory_space<vmem>>, vector<504x512xf32>,
    %get3A_22 = arith.constant 4 : index
    %get3A_23 = arith.constant 0 : index
    %get3A_24 = vector.load %arg0[%get3A_22, %get3A_23] : memref<509x512xf32, #tpu.memory_space<vmem>>, vector<504x512xf32>
    %swap3A_25 = arith.constant 2016 : index
    %swap3A_26 = arith.constant 0 : index
    %swap3A_27 = vector.load %arg1[%swap3A_25, %swap3A_26] : memref<4016x512xf32, #tpu.memory_space<vmem>>, vector<504x512xf32>
    tpu.vector_store %arg1[%swap3A_25, %swap3A_26], %get3A_24 {strides = array<i32>} : memref<4016x512xf32, #tpu.memory_space<vmem>>, vector<504x512xf32>,
    %get3A_28 = arith.constant 5 : index
    %get3A_29 = arith.constant 0 : index
    %get3A_30 = vector.load %arg0[%get3A_28, %get3A_29] : memref<509x512xf32, #tpu.memory_space<vmem>>, vector<504x512xf32>
    %swap3A_31 = arith.constant 2520 : index
    %swap3A_32 = arith.constant 0 : index
    %swap3A_33 = vector.load %arg1[%swap3A_31, %swap3A_32] : memref<4016x512xf32, #tpu.memory_space<vmem>>, vector<504x512xf32>
    tpu.vector_store %arg1[%swap3A_31, %swap3A_32], %get3A_30 {strides = array<i32>} : memref<4016x512xf32, #tpu.memory_space<vmem>>, vector<504x512xf32>,
    %get3A_34 = arith.constant 6 : index
    %get3A_35 = arith.constant 0 : index
    %get3A_36 = vector.load %arg0[%get3A_34, %get3A_35] : memref<509x512xf32, #tpu.memory_space<vmem>>, vector<496x512xf32>
    %swap3A_37 = arith.constant 3024 : index
    %swap3A_38 = arith.constant 0 : index
    %swap3A_39 = vector.load %arg1[%swap3A_37, %swap3A_38] : memref<4016x512xf32, #tpu.memory_space<vmem>>, vector<496x512xf32>
    tpu.vector_store %arg1[%swap3A_37, %swap3A_38], %get3A_36 {strides = array<i32>} : memref<4016x512xf32, #tpu.memory_space<vmem>>, vector<496x512xf32>,
    %get3A_40 = arith.constant 7 : index
    %get3A_41 = arith.constant 0 : index
    %get3A_42 = vector.load %arg0[%get3A_40, %get3A_41] : memref<509x512xf32, #tpu.memory_space<vmem>>, vector<496x512xf32>
    %swap3A_43 = arith.constant 3520 : index
    %swap3A_44 = arith.constant 0 : index
    %swap3A_45 = vector.load %arg1[%swap3A_43, %swap3A_44] : memref<4016x512xf32, #tpu.memory_space<vmem>>, vector<496x512xf32>
    tpu.vector_store %arg1[%swap3A_43, %swap3A_44], %get3A_42 {strides = array<i32>} : memref<4016x512xf32, #tpu.memory_space<vmem>>, vector<496x512xf32>,
    return
  }
}

</mosaic_0001>

<sc_bundles>
// kernel: kernel.4.cloned.1.call-start
scs
__scs_entry_jumppad:
0x0: {  	(pc) =	sbr.rel $0x88, $3  }
0x1: {  	(tag) =	ssettag $0x0;
	lr =	simm.s32 $0x1  }
0x2: {  	[smem:$0x3FA0] =	sst lr;
	_ =	strace $0xD0000000  }
0x3: {  	_ = 	snop  }
0x4: {  	_ = 	snop  }
0x5: {  	_ = 	snop  }
0x6: {  	_ = 	snop  }
0x7: {  	_ = 	snop  }
__scs_overlays_trampoline_lowered:
0x8: {  	[smem:$0x3FAF] =	sst s0  }
0x9: {  	[smem:$0x3FB0] =	sst s1  }
0xa: {  	[smem:$0x3FB1] =	sst s2  }
0xb: {  	[smem:$0x3FB2] =	sst s3  }
0xc: {  	[smem:$0x3FB3] =	sst s4  }
0xd: {  	[smem:$0x3FB4] =	sst s5  }
0xe: {  	[smem:$0x3FB5] =	sst s6  }
0xf: {  	[smem:$0x3FB6] =	sst s7  }
0x10: {  	[smem:$0x3FB7] =	sst s8  }
0x11: {  	[smem:$0x3FB8] =	sst s9;
	s0 =	simm.s32 @!p0 $0x0  }
0x12: {  	s1 =	sld [smem:$0x3F9E];
	s0 =	simm.s32 @p0 $0x1  }
0x13: {  	[smem:$0x3FB9] =	sst s0;
	s0 =	simm.s32 @!p1 $0x0  }
0x14: {  	s2 =	sld [smem:$0x3F9D];
	s0 =	simm.s32 @p1 $0x1  }
0x15: {  	[smem:$0x3FBA] =	sst s0;
	s0 =	simm.s32 @!p2 $0x0  }
0x16: {  	s3 =	sld [smem:$0x3FDB];
	s0 =	simm.s32 @p2 $0x1  }
0x17: {  	s4 =	simm.s32 $0x1BF5;
	[smem:$0x3FBC] =	sst s0  }
0x18: {  	s0 =	sld [smem:$0x3F9F];
	_ =	swait.ge [sflag:s4], $0x0  }
0x19: {  	s7 =	sld [smem:$0x3FA0]  }
0x1a: {  	s8 =	sadd.s32 $0xFFFFE003, lr  }
0x1b: {  	s9 =	sadd.s32 $0xFFFFFEF7, lr;
	s5 =	simm.s32 $0xFFFFFFFF;
	p2 =	slt.u32 s8, $0xFFFFF086  }
0x1c: {  	p1 =	slt.u32 s9, $0xF7A;
	s5 =	simm.s32 @!p2 $0x0  }
0x1d: {  	s5 =	simm.s32 @p1 $0x1;
	p0 =	seq.s32 s7, s2  }
0x1e: {  	s7 =	smul.u32 @!p0 $0xF7A, s2;
	p2 =	seq.s32 @!p0 s5, $0x0  }
0x1f: {  	s9 =	smul.u32 $0xF7A, s1;
	s8 =	simm.s32 @!p0 $0x1BF5;
	p2 =	por !p2, p0  }
0x20: {  	[sflag:s8] =	ssyncset.s32 @!p0 $0xFFFFF086;
	s6 =	sadd.s32 @!p0 s3, s7;
	s7 =	simm.s32 @!p0 $0x108  }
0x21: {  	s3 =	sadd.s32 s3, s9;
	s6 =	sadd.s32 @!p0 $0x88, s6;
	s7 =	simm.s32 @p2 $0x1082  }
0x22: {  	[simem:s7], [sflag:s8] =	dma.local @!p0 [hbm:s6], $0xF7A  }
0x23: {  	s9 =	sor.u32 $0xD0000000, s2;
	s6 =	simm.s32 $0x108;
	_ =	swait.ge @!p0 [sflag:s8], $0x0  }
0x24: {  	s3 =	sadd.s32 $0x88, s3;
	s6 =	simm.s32 @!p1 $0x1082;
	[sflag:s4] =	ssyncset.s32 $0xFFFFF086  }
0x25: {  	[simem:s6], [sflag:s4] =	dma.local [hbm:s3], $0xF7A  }
0x26: {  	[smem:$0x3FA0] =	sst s1;
	(tag) =	ssettag s2;
	_ =	strace s9  }
0x27: {  	s1 =	sld [smem:$0x3FB0]  }
0x28: {  	s2 =	sld [smem:$0x3FB1]  }
0x29: {  	s4 =	sld [smem:$0x3FB3]  }
0x2a: {  	p0 =	seq.s32 s5, $0x0;
	s5 =	sld [smem:$0x3FB4]  }
0x2b: {  	s6 =	sld [smem:$0x3FB5]  }
0x2c: {  	s7 =	sld [smem:$0x3FB6]  }
0x2d: {  	s3 =	simm.s32 $0x108;
	s8 =	sld [smem:$0x3FB7]  }
0x2e: {  	s3 =	simm.s32 @!p0 $0x1082;
	s9 =	sld [smem:$0x3FB8]  }
0x2f: {  	lr =	sadd.s32 s0, s3;
	s0 =	sld [smem:$0x3FAF]  }
0x30: {  	s3 =	sld [smem:$0x3FB2]  }
0x31: {  	[smem:$0x3FBB] =	sst s10  }
0x32: {  	s10 =	sld [smem:$0x3FB9];
	_ =	sdelay $0x3  }
0x33: {  	p0 =	seq.s32 s10, $0x1;
	s10 =	sld [smem:$0x3FBB];
	_ =	sdelay $0x3  }
0x34: {  	[smem:$0x3FBB] =	sst s10  }
0x35: {  	s10 =	sld [smem:$0x3FBA];
	_ =	sdelay $0x3  }
0x36: {  	p1 =	seq.s32 s10, $0x1;
	s10 =	sld [smem:$0x3FBB];
	_ =	sdelay $0x3  }
0x37: {  	[smem:$0x3FBB] =	sst s10  }
0x38: {  	s10 =	sld [smem:$0x3FBC]  }
0x39: {  	_ = 	snop;
	(pc) =	sbr.ind lr, $3  }
0x3a: {  	_ = 	snop  }
0x3b: {  	_ = 	snop  }
0x3c: {  	p2 =	seq.s32 s10, $0x1;
	s10 =	sld [smem:$0x3FBB]  }
0x3d: {  	_ =	shalt  }
0x3e: {  	_ =	shalt  }
0x3f: {  	_ =	shalt  }
0x40: {  	_ =	shalt  }
0x41: {  	_ =	shalt  }
0x42: {  	_ =	shalt  }
0x43: {  	_ =	shalt  }
0x44: {  	_ =	shalt  }
0x45: {  	_ =	shalt  }
0x46: {  	_ =	shalt  }
0x47: {  	_ =	shalt  }
0x48: {  	_ =	shalt  }
0x49: {  	_ =	shalt  }
0x4a: {  	_ =	shalt  }
0x4b: {  	_ =	shalt  }
0x4c: {  	_ =	shalt  }
0x4d: {  	_ =	shalt  }
0x4e: {  	_ =	shalt  }
0x4f: {  	_ =	shalt  }
0x50: {  	_ =	shalt  }
0x51: {  	_ =	shalt  }
0x52: {  	_ =	shalt  }
0x53: {  	_ =	shalt  }
0x54: {  	_ =	shalt  }
0x55: {  	_ =	shalt  }
0x56: {  	_ =	shalt  }
0x57: {  	_ =	shalt  }
0x58: {  	_ =	shalt  }
0x59: {  	_ =	shalt  }
0x5a: {  	_ =	shalt  }
0x5b: {  	_ =	shalt  }
0x5c: {  	_ =	shalt  }
0x5d: {  	_ =	shalt  }
0x5e: {  	_ =	shalt  }
0x5f: {  	_ =	shalt  }
0x60: {  	_ =	shalt  }
0x61: {  	_ =	shalt  }
0x62: {  	_ =	shalt  }
0x63: {  	_ =	shalt  }
0x64: {  	_ =	shalt  }
0x65: {  	_ =	shalt  }
0x66: {  	_ =	shalt  }
0x67: {  	_ =	shalt  }
0x68: {  	_ =	shalt  }
0x69: {  	_ =	shalt  }
0x6a: {  	_ =	shalt  }
0x6b: {  	_ =	shalt  }
0x6c: {  	_ =	shalt  }
0x6d: {  	_ =	shalt  }
0x6e: {  	_ =	shalt  }
0x6f: {  	_ =	shalt  }
0x70: {  	_ =	shalt  }
0x71: {  	_ =	shalt  }
0x72: {  	_ =	shalt  }
0x73: {  	_ =	shalt  }
0x74: {  	_ =	shalt  }
0x75: {  	_ =	shalt  }
0x76: {  	_ =	shalt  }
0x77: {  	_ =	shalt  }
0x78: {  	_ =	shalt  }
0x79: {  	_ =	shalt  }
0x7a: {  	_ =	shalt  }
0x7b: {  	_ =	shalt  }
0x7c: {  	_ =	shalt  }
0x7d: {  	_ =	shalt  }
0x7e: {  	_ =	shalt  }
0x7f: {  	_ =	shalt  }
0x80: {  	_ =	shalt  }
0x81: {  	_ =	shalt  }
0x82: {  	_ =	shalt  }
0x83: {  	_ =	shalt  }
0x84: {  	_ =	shalt  }
0x85: {  	_ =	shalt  }
0x86: {  	_ =	shalt  }
0x87: {  	_ =	shalt  }
.Lfunc_end0:
.L_simem_size_0:
called_computation_lowered:
.L_overlay_start_0:
0x88: {  	s2 =	sld [smem:$0x3FD9]  }
0x89: {  	s3 =	sld [smem:$0x3FFE];
	_ =	sdelay $0x1  }
0x8a: {  	s1 =	srdreg.scid  }
0x8b: {  	s0 =	sand.u32 $0x1, s1  }
0x8c: {  	s17 =	sshll.u32 s0, $0xA;
	s2 =	sadd.s32 s3, s2  }
0x8d: {  	s2 =	sadd.s32 s2, s17  }
0x8e: {  	[smem:$0x3FC7] =	sst s2  }
0x8f: {  	_ = 	snop  }
0x90: {  	s2 =	sld [smem:$0x3FD0];
	(tm) =	ssettm $0x1  }
0x91: {  	s18 =	sld [smem:$0x3FFB];
	_ =	sdelay $0x3  }
0x92: {  	_ =	strace s18  }
0x93: {  	s3 =	sld [smem:$0x3FFC];
	_ =	sdelay $0x3  }
0x94: {  	_ =	strace s3  }
0x95: {  	s3 =	sld [smem:$0x3FFD];
	_ =	sdelay $0x3  }
0x96: {  	_ =	strace s3  }
0x97: {  	_ =	strace $0x8FFFFFFF  }
0x98: {  	s19 =	sld [smem:$0x3FDB];
	_ =	sdelay $0x1  }
0x99: {  	s4 =	simm.s32 $_scs_section_size  }
0x9a: {  	s5 =	simm.s32 $_size__tile_overlayer_lowered;
	s6 =	simm.s32 $_tile_overlayer_lowered  }
0x9b: {  	s22 =	simm.s32 $0x1BFF;
	s21 =	sshll.u32 s6, $0x1;
	s3 =	sadd.s32 s4, s19  }
0x9c: {  	s7 =	simm.s32 $0x0;
	s20 =	sshll.u32 s5, $0x1;
	s5 =	sadd.s32 s21, s3  }
0x9d: {  	[timem:s7], [sflag:s22] =	dma.local [hbm:s5], s20  }
0x9e: {  	_ =	swait.ge [sflag:s22], s20  }
0x9f: {  	s4 =	ssub.s32 $0x0, s20;
	[sflag:s22] =	ssyncset.done $0x0  }
0xa0: {  	[sflag:s22] =	ssyncadd.s32 s4;
	_ =	sdelay $0x1  }
0xa1: {  	s23 =	simm.s32 $0x1B8B  }
0xa2: {  	_ =	swait.ge [sflag:s23], $0x1  }
0xa3: {  	[sflag:s23] =	ssyncset.done $0x0  }
0xa4: {  	s25 =	simm.s32 $0x1B8E;
	s24 =	sld [smem:$0x3FFE];
	[sflag:s23] =	ssyncadd.s32 $0xFFFFFFFF  }
0xa5: {  	s26 =	simm.s32 $execute0_lowered;
	[smem:$0x3FD2] =	sst s25  }
0xa6: {  	s5 =	sshll.u32 s26, $0x1;
	_ =	strace $0x80000046;
	[dreg:$0x1] =	wrdreg $0xFFFFFFFF  }
0xa7: {  	s28 =	simm.s32 $_size_execute0_lowered;
	s3 =	sadd.s32 s3, s5;
	[dreg:$0x0] =	wrdreg $0x0  }
0xa8: {  	s5 =	sshll.u32 s28, $0x1;
	[dreg:$0x2] =	wrdreg s3  }
0xa9: {  	[dreg:$0x3] =	wrdreg s5  }
0xaa: {  	[dreg:$0x4] =	wrdreg $0xC0  }
0xab: {  	_ =	task [dreg:s7], $0x5FFFF  }
0xac: {  	[dreg:$0x1] =	wrdreg $0xFFFFFFFF  }
0xad: {  	[dreg:$0x0] =	wrdreg $0x60  }
0xae: {  	[dreg:$0x2] =	wrdreg s24  }
0xaf: {  	[dreg:$0x3] =	wrdreg s2  }
0xb0: {  	[dreg:$0x4] =	wrdreg $0x0  }
0xb1: {  	[dreg:$0x5] =	wrdreg $0x9  }
0xb2: {  	_ =	task.clear_ibuf [dreg:s7], $0x6FFFF;
	_ =	strace $0x90000046  }
0xb3: {  	s29 =	simm.s32 $0x9;
	_ =	strace $0x80000048  }
0xb4: {  	_ =	swait.ge [sflag:s29], $0x1  }
0xb5: {  	[sflag:s29] =	ssyncadd.s32 $0xFFFFFFFF  }
0xb6: {  	_ =	strace $0x90000048  }
0xb7: {  	_ =	sfence  }
0xb8: {  	s30 =	sld [smem:$0x0];
	_ =	sdelay $0x2  }
0xb9: {  	s31 =	sshll.u32 s1, $0xD;
	s1 =	sshrl.u32 s1, $0x2  }
0xba: {  	s3 =	sand.u32 $0x4000, s31;
	s1 =	sadd.s32 s1, s30  }
0xbb: {  	s0 =	sor.u32 s3, s0;
	s1 =	sshll.u32 s1, $0x11  }
0xbc: {  	s0 =	sor.u32 s1, s0  }
0xbd: {  	s0 =	sadd.s32 $0x8F2B, s0  }
0xbe: {  	[sflag:s0] =	ssyncadd.remote.s32 $0x1  }
0xbf: {  	_ =	sfence.sel $0xFFFF  }
0xc0: {  	[dreg:$0x0] =	wrdreg $0xFFFFFFFF;
	(pc) =	sbr.abs _section_cstart, $3  }
0xc1: {  	[dreg:$0x1] =	wrdreg $0xFFFFFFFF  }
0xc2: {  	_ =	task.clear_ibuf [dreg:s7], $0x2FFFF;
	_ =	strace $0x9FFFFFFF  }
0xc3: {  	(tm) =	ssettm $0x7FFFFFFF  }
tec
execute0_lowered:
.L_overlay_start_1:
0x0: {  	(tag) =	ssettag $0x1  }
0x1: {  	s2 =	rddreg [dreg:$0x0]  }
0x2: {  	s11 =	rddreg [dreg:$0x1]  }
0x3: {  	s10 =	rddreg [dreg:$0x2]  }
0x4: {  	s0 =	rddreg [dreg:$0x3];
	s3 =	simm.s32 $0x0  }
0x5: {  	s1 =	stileid.u32;
	s4 =	srdreg.scid;
	p1 =	por $0x0, $0x0  }
0x6: {  	[smem:$0x7FF] =	sst s3;
	s18 =	sand.u32 $0x1, s4;
	s19 =	sshll.u32 s1, $0x1  }
0x7: {  	s20 =	sshll.u32 s1, $0xE;
	s23 =	sshll.u32 s1, $0x11;
	s14 =	sadd.s32 $0x1E0000, s10  }
0x8: {  	p0 =	seq.s32 s1, $0xF;
	_ =	strace $0x80000047;
	s5 =	ssub.s32 $0x2, s18  }
0x9: {  	s8 =	sor.u32 s18, s19;
	s3 =	sadd.s32 s20, s2;
	s13 =	sadd.s32 s23, s10  }
0xa: {  	s21 =	sshrl.u32 s5, $0x1;
	s6 =	ssub.s32 $0xFD, s8;
	s3 =	sadd.s32 $0x800, s3  }
0xb: {  	s28 =	ssub.s32 $0xDD, s8;
	s17 =	ssub.s32 $0xBD, s8;
	s12 =	ssub.s32 s5, s21  }
0xc: {  	s22 =	sand.u32 $0x7, s6;
	[dreg:$0x4] =	wrdreg s3;
	s24 =	sand.u32 $0xF8, s6  }
0xd: {  	s3 =	sadd.s32 $0x3C800, s2;
	s31 =	sand.u32 $0x7, s28;
	s7 =	smul.u32 $0x1F8, s22  }
0xe: {  	s5 =	sand.u32 $0xF8, s28;
	s18 =	sand.u32 $0x7, s17;
	s9 =	smul.u32 $0x1F8, s31  }
0xf: {  	s21 =	ssub.s32 $0x9D, s8;
	s25 =	smax.u32 s22, $0x6;
	s19 =	smul.u32 $0x1F8, s18  }
0x10: {  	s22 =	sand.u32 $0x7, s21;
	s2 =	sshll.u32 s25, $0xE;
	s26 =	sadd.s32 s7, s24  }
0x11: {  	s7 =	sshll.u32 s8, $0xE;
	s5 =	sadd.s32 s9, s5;
	s9 =	smax.u32 s18, $0x6  }
0x12: {  	s18 =	smul.u32 $0x1F8, s22;
	s4 =	sshll.u32 s26, $0xB;
	s5 =	sshll.u32 s5, $0xB  }
0x13: {  	s20 =	sshll.u32 s9, $0xE;
	s9 =	sand.u32 $0xF8, s21;
	s26 =	ssub.s32 $0x5D, s8  }
0x14: {  	s2 =	ssub.s32 s4, s2;
	s4 =	smax.u32 s31, $0x6;
	s23 =	sadd.s32 s18, s9  }
0x15: {  	s28 =	sand.u32 $0x7, s26;
	s15 =	sadd.s32 $0x18000, s2;
	s2 =	sadd.s32 s11, s7  }
0x16: {  	s4 =	sshll.u32 s4, $0xE;
	s7 =	sand.u32 $0xB8, s17;
	s18 =	sshll.u32 s23, $0xB  }
0x17: {  	s31 =	smul.u32 $0x1F8, s28;
	s16 =	sshrl.u32 s15, $0x2;
	s5 =	ssub.s32 s5, s4  }
0x18: {  	s4 =	sadd.s32 $0x80000, s2;
	s6 =	sadd.s32 s19, s7;
	s19 =	ssub.s32 $0x7D, s8  }
0x19: {  	s7 =	smax.u32 s22, $0x6;
	s15 =	sadd.s32 s16, s10;
	s5 =	sadd.s32 $0x18000, s5  }
0x1a: {  	s6 =	sshll.u32 s6, $0xB;
	s24 =	sand.u32 $0x7, s19;
	s7 =	sshll.u32 s7, $0xE  }
0x1b: {  	s19 =	sand.u32 $0x78, s19;
	s5 =	sshrl.u32 s5, $0x2;
	s6 =	ssub.s32 s6, s20  }
0x1c: {  	s20 =	smul.u32 $0x1F8, s24;
	s7 =	ssub.s32 s18, s7;
	s9 =	smax.u32 s24, $0x6  }
0x1d: {  	s24 =	ssub.s32 $0x3D, s8;
	s16 =	sadd.s32 s5, s10;
	s5 =	sadd.s32 $0x100000, s2  }
0x1e: {  	s6 =	sadd.s32 $0x18000, s6;
	s9 =	sshll.u32 s9, $0xE;
	s7 =	sadd.s32 $0x18000, s7  }
0x1f: {  	s6 =	sshrl.u32 s6, $0x2;
	s25 =	sadd.s32 s20, s19;
	s7 =	sshrl.u32 s7, $0x2  }
0x20: {  	s19 =	sand.u32 $0x78, s26;
	s20 =	sand.u32 $0x7, s24;
	s17 =	sadd.s32 s6, s10  }
0x21: {  	s6 =	sadd.s32 $0x180000, s2;
	s18 =	sshll.u32 s25, $0xB;
	s22 =	sadd.s32 s7, s10  }
0x22: {  	s7 =	sadd.s32 $0x200000, s2;
	s21 =	sadd.s32 s31, s19;
	s9 =	ssub.s32 s18, s9  }
0x23: {  	s26 =	smul.u32 $0x1F8, s20;
	s19 =	sand.u32 $0x38, s24;
	s9 =	sadd.s32 $0x18000, s9  }
0x24: {  	s20 =	smax.u32 s20, $0x6;
	s18 =	smax.u32 s28, $0x6;
	s9 =	sshrl.u32 s9, $0x2  }
0x25: {  	s18 =	sshll.u32 s18, $0xE;
	s23 =	sadd.s32 s9, s10;
	s9 =	sshll.u32 s21, $0xB  }
0x26: {  	s20 =	sshll.u32 s20, $0xE;
	s21 =	smin.u32 s8, $0x1D;
	s25 =	ssub.s32 s9, s18  }
0x27: {  	s28 =	ssub.s32 $0x1D, s21;
	s9 =	sadd.s32 s26, s19;
	s21 =	sshll.u32 s21, $0xE  }
0x28: {  	s8 =	sadd.s32 $0x18000, s25;
	s24 =	sand.u32 $0x7, s28;
	s18 =	sand.u32 $0x18, s28  }
0x29: {  	s26 =	sshll.u32 s9, $0xB;
	s9 =	sadd.s32 $0x300000, s2;
	s11 =	sadd.s32 s21, s11  }
0x2a: {  	s21 =	sshrl.u32 @p0 s14, $0x3;
	s14 =	sshrl.u32 s17, $0x3;
	s25 =	sshrl.u32 s8, $0x2  }
0x2b: {  	s31 =	smul.u32 $0x1F8, s24;
	s8 =	sadd.s32 $0x280000, s2;
	s28 =	smax.u32 s24, $0x6  }
0x2c: {  	s19 =	ssub.s32 s26, s20;
	s11 =	sadd.s32 $0x380000, s11;
	s25 =	sadd.s32 s25, s10  }
0x2d: {  	s19 =	sadd.s32 $0x18000, s19;
	s18 =	sadd.s32 s31, s18;
	s31 =	smax.u32 s12, $0x1  }
0x2e: {  	s20 =	sshll.u32 s28, $0xE;
	s19 =	sshrl.u32 s19, $0x2;
	s30 =	sadd.s32 $0xFFFFFFFF, s31  }
0x2f: {  	s12 =	sshrl.u32 s15, $0x3;
	s18 =	sshll.u32 s18, $0xB;
	p2 =	sne.s32 s30, $0x0  }
.Ltmp0:
0x30: {  	s15 =	sshrl.u32 s22, $0x3;
	s18 =	ssub.s32 s18, s20;
	(pc) =	sbr.rel @!p2 .LBB2_3-.Ltmp0, $4  }
0x31: {  	s17 =	sshrl.u32 s25, $0x3;
	s22 =	sshll.u32 @!p0 s1, $0x6;
	s18 =	sadd.s32 $0x18000, s18  }
0x32: {  	s19 =	sadd.s32 s19, s10;
	s20 =	sshrl.u32 @!p0 s13, $0x3;
	s18 =	sshra.s32 s18, $0x2  }
0x33: {  	s13 =	sshrl.u32 s16, $0x3;
	s16 =	sshrl.u32 s23, $0x3;
	s10 =	sadd.s32 s18, s10  }
0x34: {  	s18 =	sshrl.u32 s19, $0x3;
	s19 =	sshrl.u32 @!p0 s10, $0x3;
	s10 =	simm.s32 $0x1  }
0x35: {  	s23 =	simm.s32 @p0 $0x1FC2;
	s24 =	simm.s32 @p0 $0x2  }
0x36: {  	[spmem:s21], [sflag:s23] =	dma.local @p0 [hbm:s3], $0x2C00  }
0x37: {  	_ =	swait.ge @p0 [sflag:s24], $0x2C00  }
0x38: {  	s25 =	sor.u32 @!p0 $0x1C02, s22;
	[sflag:s24] =	ssyncset.done @p0 $0x0  }
0x39: {  	s26 =	simm.s32 @!p0 $0x2;
	s28 =	rddreg [dreg:$0x4];
	[sflag:s24] =	ssyncadd.s32 @p0 $0xFFFFD400  }
0x3a: {  	[spmem:s20], [sflag:s25] =	dma.local @!p0 [hbm:s28], $0x4000  }
0x3b: {  	_ =	swait.ge @!p0 [sflag:s26], $0x4000  }
0x3c: {  	[sflag:s26] =	ssyncset.done @!p0 $0x0  }
0x3d: {  	s28 =	sshll.u32 s1, $0x6;
	[sflag:s26] =	ssyncadd.s32 @!p0 $0xFFFFC000  }
0x3e: {  	s28 =	sor.u32 $0x1C01, s28;
	[bflag:$0x0] =	sbarrier.arrive $0xFFFF  }
0x3f: {  	[hbm:s2], [sflag:s28] =	dma.local [spmem:s12], $0x4000  }
0x40: {  	[hbm:s4], [sflag:s28] =	dma.local [spmem:s13], $0x4000  }
0x41: {  	[hbm:s5], [sflag:s28] =	dma.local [spmem:s14], $0x4000  }
0x42: {  	[hbm:s6], [sflag:s28] =	dma.local [spmem:s15], $0x4000  }
0x43: {  	[hbm:s7], [sflag:s28] =	dma.local [spmem:s16], $0x4000  }
0x44: {  	[hbm:s8], [sflag:s28] =	dma.local [spmem:s17], $0x4000  }
0x45: {  	[hbm:s9], [sflag:s28] =	dma.local [spmem:s18], $0x4000  }
0x46: {  	[hbm:s11], [sflag:s28] =	dma.local @!p0 [spmem:s19], $0x4000  }
0x47: {  	_ =	swait.ge [sflag:s10], $0x4000  }
0x48: {  	[sflag:s10] =	ssyncset.done $0x0  }
0x49: {  	[sflag:s10] =	ssyncadd.s32 $0xFFFFC000  }
0x4a: {  	_ =	swait.ge [sflag:s10], $0x4000  }
0x4b: {  	[sflag:s10] =	ssyncset.done $0x0  }
0x4c: {  	[sflag:s10] =	ssyncadd.s32 $0xFFFFC000  }
0x4d: {  	_ =	swait.ge [sflag:s10], $0x4000  }
0x4e: {  	[sflag:s10] =	ssyncset.done $0x0  }
0x4f: {  	[sflag:s10] =	ssyncadd.s32 $0xFFFFC000  }
0x50: {  	_ =	swait.ge [sflag:s10], $0x4000  }
0x51: {  	[sflag:s10] =	ssyncset.done $0x0  }
0x52: {  	[sflag:s10] =	ssyncadd.s32 $0xFFFFC000  }
0x53: {  	_ =	swait.ge [sflag:s10], $0x4000  }
0x54: {  	[sflag:s10] =	ssyncset.done $0x0  }
0x55: {  	[sflag:s10] =	ssyncadd.s32 $0xFFFFC000  }
0x56: {  	_ =	swait.ge [sflag:s10], $0x4000  }
0x57: {  	s30 =	sadd.s32 $0xFFFFFFFF, s30;
	[sflag:s10] =	ssyncset.done $0x0  }
0x58: {  	p2 =	sne.s32 s30, $0x0;
	[sflag:s10] =	ssyncadd.s32 $0xFFFFC000  }
.Ltmp1:
0x59: {  	_ =	swait.ge [sflag:s10], $0x4000;
	(pc) =	sbr.rel @!p2 .LBB2_3-.Ltmp1, $4  }
0x5a: {  	[sflag:s10] =	ssyncset.done $0x0  }
0x5b: {  	s29 =	simm.s32 @!p0 $0x1;
	[sflag:s10] =	ssyncadd.s32 $0xFFFFC000  }
0x5c: {  	_ =	swait.ge @!p0 [sflag:s29], $0x4000  }
0x5d: {  	p1 =	por $0x1, $0x1;
	[sflag:s29] =	ssyncset.done @!p0 $0x0  }
.LBB2_2:
0x5e: {  	[sflag:s29] =	ssyncadd.s32 @!p0 $0xFFFFC000  }
0x5f: {  	[spmem:s21], [sflag:s23] =	dma.local @p0 [hbm:s3], $0x2C00  }
0x60: {  	_ =	swait.ge @p0 [sflag:s24], $0x2C00  }
0x61: {  	[sflag:s24] =	ssyncset.done @p0 $0x0  }
0x62: {  	s31 =	rddreg [dreg:$0x4];
	[sflag:s24] =	ssyncadd.s32 @p0 $0xFFFFD400  }
0x63: {  	[spmem:s20], [sflag:s25] =	dma.local @!p0 [hbm:s31], $0x4000  }
0x64: {  	_ =	swait.ge @!p0 [sflag:s26], $0x4000  }
0x65: {  	[sflag:s26] =	ssyncset.done @!p0 $0x0  }
0x66: {  	[sflag:s26] =	ssyncadd.s32 @!p0 $0xFFFFC000  }
0x67: {  	[bflag:$0x0] =	sbarrier.arrive $0xFFFF  }
0x68: {  	[hbm:s2], [sflag:s28] =	dma.local [spmem:s12], $0x4000  }
0x69: {  	[hbm:s4], [sflag:s28] =	dma.local [spmem:s13], $0x4000  }
0x6a: {  	[hbm:s5], [sflag:s28] =	dma.local [spmem:s14], $0x4000  }
0x6b: {  	[hbm:s6], [sflag:s28] =	dma.local [spmem:s15], $0x4000  }
0x6c: {  	[hbm:s7], [sflag:s28] =	dma.local [spmem:s16], $0x4000  }
0x6d: {  	[hbm:s8], [sflag:s28] =	dma.local [spmem:s17], $0x4000  }
0x6e: {  	[hbm:s9], [sflag:s28] =	dma.local [spmem:s18], $0x4000  }
0x6f: {  	[hbm:s11], [sflag:s28] =	dma.local @!p0 [spmem:s19], $0x4000  }
0x70: {  	_ =	swait.ge [sflag:s10], $0x4000  }
0x71: {  	[sflag:s10] =	ssyncset.done $0x0  }
0x72: {  	[sflag:s10] =	ssyncadd.s32 $0xFFFFC000  }
0x73: {  	_ =	swait.ge [sflag:s10], $0x4000  }
0x74: {  	[sflag:s10] =	ssyncset.done $0x0  }
0x75: {  	[sflag:s10] =	ssyncadd.s32 $0xFFFFC000  }
0x76: {  	_ =	swait.ge [sflag:s10], $0x4000  }
0x77: {  	[sflag:s10] =	ssyncset.done $0x0  }
0x78: {  	[sflag:s10] =	ssyncadd.s32 $0xFFFFC000  }
0x79: {  	_ =	swait.ge [sflag:s10], $0x4000  }
0x7a: {  	[sflag:s10] =	ssyncset.done $0x0  }
0x7b: {  	[sflag:s10] =	ssyncadd.s32 $0xFFFFC000  }
0x7c: {  	_ =	swait.ge [sflag:s10], $0x4000  }
0x7d: {  	[sflag:s10] =	ssyncset.done $0x0  }
0x7e: {  	[sflag:s10] =	ssyncadd.s32 $0xFFFFC000  }
0x7f: {  	_ =	swait.ge [sflag:s10], $0x4000  }
0x80: {  	s30 =	sadd.s32 $0xFFFFFFFF, s30;
	[sflag:s10] =	ssyncset.done $0x0  }
0x81: {  	p2 =	sne.s32 s30, $0x0;
	[sflag:s10] =	ssyncadd.s32 $0xFFFFC000  }
.Ltmp2:
0x82: {  	_ =	swait.ge [sflag:s10], $0x4000;
	(pc) =	sbr.rel @p2 .LBB2_2-.Ltmp2, $4  }
0x83: {  	[sflag:s10] =	ssyncset.done $0x0  }
0x84: {  	[sflag:s10] =	ssyncadd.s32 $0xFFFFC000  }
0x85: {  	_ =	swait.ge @!p0 [sflag:s29], $0x4000  }
0x86: {  	[sflag:s29] =	ssyncset.done @!p0 $0x0  }
.LBB2_3:
0x87: {  	p1 =	por p0, !p1  }
0x88: {  	s23 =	simm.s32 @p0 $0x1FC2;
	s24 =	simm.s32 @p0 $0x2;
	[sflag:s29] =	ssyncadd.s32 @!p1 $0xFFFFC000  }
0x89: {  	[spmem:s21], [sflag:s23] =	dma.local @p0 [hbm:s3], $0x2C00  }
0x8a: {  	_ =	swait.ge @p0 [sflag:s24], $0x2C00  }
0x8b: {  	s21 =	sor.u32 @!p0 $0x1C02, s22;
	[sflag:s24] =	ssyncset.done @p0 $0x0  }
0x8c: {  	s22 =	simm.s32 @!p0 $0x2;
	s3 =	rddreg [dreg:$0x4];
	[sflag:s24] =	ssyncadd.s32 @p0 $0xFFFFD400  }
0x8d: {  	[spmem:s20], [sflag:s21] =	dma.local @!p0 [hbm:s3], $0x4000  }
0x8e: {  	_ =	swait.ge @!p0 [sflag:s22], $0x4000  }
0x8f: {  	[sflag:s22] =	ssyncset.done @!p0 $0x0  }
0x90: {  	s31 =	sshll.u32 s1, $0x6;
	[sflag:s22] =	ssyncadd.s32 @!p0 $0xFFFFC000  }
0x91: {  	s3 =	sor.u32 $0x1C01, s31;
	[bflag:$0x0] =	sbarrier.arrive $0xFFFF  }
0x92: {  	[hbm:s2], [sflag:s3] =	dma.local [spmem:s12], $0x4000  }
0x93: {  	[hbm:s4], [sflag:s3] =	dma.local [spmem:s13], $0x4000  }
0x94: {  	[hbm:s5], [sflag:s3] =	dma.local [spmem:s14], $0x4000  }
0x95: {  	[hbm:s6], [sflag:s3] =	dma.local [spmem:s15], $0x4000  }
0x96: {  	[hbm:s7], [sflag:s3] =	dma.local [spmem:s16], $0x4000  }
0x97: {  	[hbm:s8], [sflag:s3] =	dma.local [spmem:s17], $0x4000  }
0x98: {  	[hbm:s9], [sflag:s3] =	dma.local [spmem:s18], $0x4000  }
0x99: {  	[hbm:s11], [sflag:s3] =	dma.local @!p0 [spmem:s19], $0x4000  }
0x9a: {  	_ =	swait.ge [sflag:s10], $0x4000  }
0x9b: {  	[sflag:s10] =	ssyncset.done $0x0  }
0x9c: {  	[sflag:s10] =	ssyncadd.s32 $0xFFFFC000  }
0x9d: {  	_ =	swait.ge [sflag:s10], $0x4000  }
0x9e: {  	[sflag:s10] =	ssyncset.done $0x0  }
0x9f: {  	[sflag:s10] =	ssyncadd.s32 $0xFFFFC000  }
0xa0: {  	_ =	swait.ge [sflag:s10], $0x4000  }
0xa1: {  	[sflag:s10] =	ssyncset.done $0x0  }
0xa2: {  	[sflag:s10] =	ssyncadd.s32 $0xFFFFC000  }
0xa3: {  	_ =	swait.ge [sflag:s10], $0x4000  }
0xa4: {  	[sflag:s10] =	ssyncset.done $0x0  }
0xa5: {  	[sflag:s10] =	ssyncadd.s32 $0xFFFFC000  }
0xa6: {  	_ =	swait.ge [sflag:s10], $0x4000  }
0xa7: {  	[sflag:s10] =	ssyncset.done $0x0  }
0xa8: {  	[sflag:s10] =	ssyncadd.s32 $0xFFFFC000  }
0xa9: {  	_ =	swait.ge [sflag:s10], $0x4000  }
0xaa: {  	[sflag:s10] =	ssyncset.done $0x0  }
0xab: {  	[sflag:s10] =	ssyncadd.s32 $0xFFFFC000  }
0xac: {  	_ =	swait.ge [sflag:s10], $0x4000  }
0xad: {  	[sflag:s10] =	ssyncset.done $0x0  }
0xae: {  	s2 =	simm.s32 @!p0 $0x1;
	[sflag:s10] =	ssyncadd.s32 $0xFFFFC000  }
0xaf: {  	_ =	swait.ge @!p0 [sflag:s2], $0x4000  }
0xb0: {  	[sflag:s2] =	ssyncset.done @!p0 $0x0  }
0xb1: {  	[sflag:s2] =	ssyncadd.s32 @!p0 $0xFFFFC000  }
0xb2: {  	_ =	sfence.sel $0x180000  }
0xb3: {  	[bflag:$0x0] =	sbarrier.arrive $0xFFFF  }
0xb4: {  	p0 =	sne.s32 s1, $0x0;
	_ =	strace $0x90000047  }
0xb5: {  	s0 =	sadd.s32 @!p0 $0x100000, s0;
	[bflag:$0x2] =	sbarrier.arrive $0xFFFF  }
0xb6: {  	[sflag:s0] =	ssyncadd.tile.s32 @!p0 $0x1;
	_ =	shalt  }
.Lfunc_end2:
_tile_overlayer_lowered:
.L_overlay_start_2:
0xb7: {  	(tag) =	ssettag $0x2  }
0xb8: {  	s0 =	rddreg [dreg:$0x0];
	s2 =	stileid.u32  }
0xb9: {  	s1 =	rddreg [dreg:$0x1];
	p0 =	sne.s32 s2, $0x0  }
0xba: {  	s3 =	rddreg [dreg:$0x2];
	[bflag:$0x3] =	sbarrier.arrive $0xFFFF;
	s2 =	simm.s32 @!p0 $0x1C02  }
0xbb: {  	[timem:s3], [sflag:s2] =	dma.local @!p0 [hbm:s0], s1  }
0xbc: {  	s0 =	simm.s32 @!p0 $0x2  }
0xbd: {  	_ =	swait.ge @!p0 [sflag:s0], s1  }
0xbe: {  	s1 =	ssub.s32 @!p0 $0x0, s1;
	[sflag:s0] =	ssyncset.done @!p0 $0x0  }
0xbf: {  	[sflag:s0] =	ssyncadd.s32 @!p0 s1  }
0xc0: {  	[bflag:$0x3] =	sbarrier.arrive $0xFFFF  }
0xc1: {  	_ =	shalt  }

</sc_bundles>
